<compile_context>
chip_gen: v7x
topology: tpu7x:2x2x1
jax: 0.10.2.dev20260603
libtpu: 0.0.44.dev20260713+nightly
codegen_flags: <defaults>
</compile_context>

<pallas_src>
import functools

import jax
import jax.numpy as jnp
from jax import lax
from jax.experimental import pallas as pl
from jax.experimental import pallas as _pl_unused
from jax.experimental.pallas import tpu as pltpu
from jax.experimental.pallas import tpu_sc as plsc

H = 32
A = 1025
B = A * A
T = 3972

K = 16384
NFULL = B // K
KT = B - NFULL * K
KT16 = ((KT + 15) // 16) * 16
BP = NFULL * K + KT16


def _make_sc_gather():
    info = plsc.get_sparse_core_info()
    nc = info.num_cores
    mesh = plsc.VectorSubcoreMesh(core_axis_name="c", subcore_axis_name="s")

    @functools.partial(
        pl.kernel,
        mesh=mesh,
        compiler_params=pltpu.CompilerParams(
            needs_layout_passes=False, use_tc_tiling_on_sc=False),
        out_type=jax.ShapeDtypeStruct((H, B), jnp.float32),
        scratch_types=[
            pltpu.VMEM((T,), jnp.float32),
            pltpu.VMEM((K,), jnp.int32),
            pltpu.VMEM((K,), jnp.float32),
        ],
    )
    def sc_gather(tab_hbm, idx_hbm, out_hbm, col_v, idx_v, out_v):
        wid = lax.axis_index("s") * nc + lax.axis_index("c")
        pltpu.sync_copy(tab_hbm.at[wid], col_v)

        def gather_chunk(n16):
            def body(j, _):
                iv = idx_v[pl.ds(j * 16, 16)]
                out_v[pl.ds(j * 16, 16)] = plsc.load_gather(col_v, [iv])
                return 0
            lax.fori_loop(0, n16, body, 0, unroll=8)

        def chunk(c, _):
            base = c * K
            pltpu.sync_copy(idx_hbm.at[pl.ds(base, K)], idx_v)
            gather_chunk(K // 16)
            pltpu.sync_copy(out_v, out_hbm.at[wid, pl.ds(base, K)])
            return 0

        lax.fori_loop(0, NFULL, chunk, 0)

        tbase = NFULL * K
        pltpu.sync_copy(idx_hbm.at[pl.ds(tbase, KT16)],
                        idx_v.at[pl.ds(0, KT16)])
        gather_chunk(KT16 // 16)
        pltpu.sync_copy(out_v.at[pl.ds(0, KT)],
                        out_hbm.at[wid, pl.ds(tbase, KT)])

    return sc_gather


def kernel(relative_position_bias_table, relative_position_index):
    tab_t = relative_position_bias_table.T.astype(jnp.float32)
    idx = relative_position_index.reshape(-1).astype(jnp.int32)
    idx = jnp.concatenate([idx, jnp.zeros((BP - B,), jnp.int32)])
    out = _make_sc_gather()(tab_t, idx)
    return out.reshape(H, A, A)

# --- scband reference (transcript-rebuilt; emitter-appended) ---
"""Pipeline reference for scband-relative-position-bias-6743098655014 (READ-ONLY COPY).

The authoritative reference and input builder live on the scoring server;
editing this copy changes nothing except your own understanding.
"""

import jax, jax.numpy as jnp
import numpy as np


def gen_relative_position_index(window_size):
    num_relative_distance = (2 * window_size[0] - 1) * (2 * window_size[1] - 1) + 3
    window_area = window_size[0] * window_size[1]
    coords = np.stack(np.meshgrid(np.arange(window_size[0]), np.arange(window_size[1]), indexing='ij'))
    coords_flatten = coords.reshape(2, -1)
    relative_coords = coords_flatten[:, :, None] - coords_flatten[:, None, :]
    relative_coords = relative_coords.transpose(1, 2, 0).copy()
    relative_coords[:, :, 0] += window_size[0] - 1
    relative_coords[:, :, 1] += window_size[1] - 1
    relative_coords[:, :, 0] *= 2 * window_size[1] - 1
    relative_position_index = np.zeros((window_area + 1, window_area + 1), dtype=np.int64)
    relative_position_index[1:, 1:] = relative_coords.sum(-1)
    relative_position_index[0, 0:] = num_relative_distance - 3
    relative_position_index[0:, 0] = num_relative_distance - 2
    relative_position_index[0, 0] = num_relative_distance - 1
    return relative_position_index


WINDOW_SIZE = (32, 32)
NUM_HEADS = 32


def setup_inputs(seed: int = 0) -> dict:
    key = jax.random.key(seed)
    num_relative_distance = (2 * WINDOW_SIZE[0] - 1) * (2 * WINDOW_SIZE[1] - 1) + 3
    # learned parameter (initialized randn instead of zeros so output is non-trivial)
    table = jax.random.normal(key, (num_relative_distance, NUM_HEADS), dtype=jnp.float32) * 0.02
    index = jnp.asarray(gen_relative_position_index(WINDOW_SIZE), dtype=jnp.int64)
    return {"relative_position_bias_table": table, "relative_position_index": index}


def reference(relative_position_bias_table, relative_position_index):
    area_p1 = relative_position_index.shape[0]
    flat_idx = relative_position_index.reshape(-1)
    bias = jnp.take(relative_position_bias_table, flat_idx, axis=0)
    bias = bias.reshape(area_p1, area_p1, -1)
    return jnp.transpose(bias, (2, 0, 1))

if __name__ == "__main__":
    import jax
    _d = setup_inputs()
    print(jax.jit(kernel)(*tuple(_d.values())))

</pallas_src>

<mosaic_0001>
#map = affine_map<(d0, d1) -> (0, 0)>
#map1 = affine_map<(d0, d1) -> (0)>
module attributes {stable_mosaic.version = 14 : i64} {
  func.func @sc_gather(%arg0: i32, %arg1: i32, %arg2: memref<32x3972xf32, #tpu.memory_space<hbm>>, %arg3: memref<1050640xi32, #tpu.memory_space<hbm>>, %arg4: memref<32x1050625xf32, #tpu.memory_space<hbm>>, %arg5: memref<3972xf32, #tpu.memory_space<vmem>>, %arg6: memref<16384xi32, #tpu.memory_space<vmem>>, %arg7: memref<16384xf32, #tpu.memory_space<vmem>>) attributes {dimension_semantics = [#tpu.dimension_semantics<core_parallel>, #tpu.dimension_semantics<subcore_parallel>], iteration_bounds = array<i64: 2, 16>, scalar_prefetch = 0 : i64, scratch_operands = 3 : i64, tpu.core_type = #tpu.core_type<sc_vector_subcore>, window_params = [{transform_indices = #map}, {transform_indices = #map1}, {transform_indices = #map}]} {
    %mul3A = arith.constant 2 : i32
    %mul3A_0 = arith.muli %arg1, %mul3A : i32
    %add3A = arith.addi %mul3A_0, %arg0 : i32
    "tpu.region"() ({
      %run_scoped3A = tpu.sem_alloc : memref<!tpu.dma_semaphore, #tpu.memory_space<semaphore_mem>>
      %dma_start3A = arith.constant 0 : i32
      %dma_start3A_23 = tpu.memref_slice %arg2[%add3A, %dma_start3A] : memref<32x3972xf32, #tpu.memory_space<hbm>> -> memref<1x3972xf32, #tpu.memory_space<hbm>>
      %dma_start3A_24 = tpu.memref_squeeze %dma_start3A_23 : memref<1x3972xf32, #tpu.memory_space<hbm>> -> memref<3972xf32, #tpu.memory_space<hbm>>
      %dma_start3A_25 = arith.constant 0 : i32
      %dma_start3A_26 = tpu.memref_slice %arg2[%add3A, %dma_start3A_25] : memref<32x3972xf32, #tpu.memory_space<hbm>> -> memref<1x3972xf32, #tpu.memory_space<hbm>>
      %dma_start3A_27 = tpu.memref_squeeze %dma_start3A_26 : memref<1x3972xf32, #tpu.memory_space<hbm>> -> memref<3972xf32, #tpu.memory_space<hbm>>
      tpu.enqueue_dma source(%dma_start3A_27 : memref<3972xf32, #tpu.memory_space<hbm>>) target(%arg5 : memref<3972xf32, #tpu.memory_space<vmem>>) target_semaphore(%run_scoped3A : memref<!tpu.dma_semaphore, #tpu.memory_space<semaphore_mem>>)
      %dma_wait3A = arith.constant 0 : i32
      %dma_wait3A_28 = tpu.memref_slice %arg2[%add3A, %dma_wait3A] : memref<32x3972xf32, #tpu.memory_space<hbm>> -> memref<1x3972xf32, #tpu.memory_space<hbm>>
      %dma_wait3A_29 = tpu.memref_squeeze %dma_wait3A_28 : memref<1x3972xf32, #tpu.memory_space<hbm>> -> memref<3972xf32, #tpu.memory_space<hbm>>
      %dma_wait3A_30 = arith.constant 0 : i32
      %dma_wait3A_31 = tpu.memref_slice %arg2[%add3A, %dma_wait3A_30] : memref<32x3972xf32, #tpu.memory_space<hbm>> -> memref<1x3972xf32, #tpu.memory_space<hbm>>
      %dma_wait3A_32 = tpu.memref_squeeze %dma_wait3A_31 : memref<1x3972xf32, #tpu.memory_space<hbm>> -> memref<3972xf32, #tpu.memory_space<hbm>>
      tpu.wait_dma2 semaphore(%run_scoped3A : memref<!tpu.dma_semaphore, #tpu.memory_space<semaphore_mem>>) src(%dma_wait3A_32 : memref<3972xf32, #tpu.memory_space<hbm>>) dst(%arg5 : memref<3972xf32, #tpu.memory_space<vmem>>)
      tpu.yield
    }) : () -> ()
    %scan3A = arith.constant 0 : i32
    %scan3A_1 = arith.constant 0 : i32
    %scan3A_2 = arith.constant 64 : i32
    %scan3A_3 = arith.addi %scan3A_1, %scan3A_2 : i32
    %scan3A_4 = arith.constant 1 : i32
    %scan3A_5 = scf.for %scan3A_23 = %scan3A_1 to %scan3A_3 step %scan3A_4 iter_args(%scan3A_24 = %scan3A) -> (i32)  : i32 {
      %mul3A_25 = arith.constant 16384 : i32
      %mul3A_26 = arith.muli %scan3A_23, %mul3A_25 : i32
      "tpu.region"() ({
        %run_scoped3A = tpu.sem_alloc : memref<!tpu.dma_semaphore, #tpu.memory_space<semaphore_mem>>
        %dma_start3A = tpu.memref_slice %arg3[%mul3A_26] : memref<1050640xi32, #tpu.memory_space<hbm>> -> memref<16384xi32, #tpu.memory_space<hbm>>
        %dma_start3A_35 = tpu.memref_slice %arg3[%mul3A_26] : memref<1050640xi32, #tpu.memory_space<hbm>> -> memref<16384xi32, #tpu.memory_space<hbm>>
        tpu.enqueue_dma source(%dma_start3A_35 : memref<16384xi32, #tpu.memory_space<hbm>>) target(%arg6 : memref<16384xi32, #tpu.memory_space<vmem>>) target_semaphore(%run_scoped3A : memref<!tpu.dma_semaphore, #tpu.memory_space<semaphore_mem>>)
        %dma_wait3A = tpu.memref_slice %arg3[%mul3A_26] : memref<1050640xi32, #tpu.memory_space<hbm>> -> memref<16384xi32, #tpu.memory_space<hbm>>
        %dma_wait3A_36 = tpu.memref_slice %arg3[%mul3A_26] : memref<1050640xi32, #tpu.memory_space<hbm>> -> memref<16384xi32, #tpu.memory_space<hbm>>
        tpu.wait_dma2 semaphore(%run_scoped3A : memref<!tpu.dma_semaphore, #tpu.memory_space<semaphore_mem>>) src(%dma_wait3A_36 : memref<16384xi32, #tpu.memory_space<hbm>>) dst(%arg6 : memref<16384xi32, #tpu.memory_space<vmem>>)
        tpu.yield
      }) : () -> ()
      %scan3A_27 = arith.constant 0 : i32
      %scan3A_28 = arith.constant 0 : i32
      %scan3A_29 = arith.constant 1024 : i32
      %scan3A_30 = arith.addi %scan3A_28, %scan3A_29 : i32
      %scan3A_31 = arith.constant 8 : i32
      %scan3A_32 = scf.for %scan3A_35 = %scan3A_28 to %scan3A_30 step %scan3A_31 iter_args(%scan3A_36 = %scan3A_27) -> (i32)  : i32 {
        %mul3A_37 = arith.constant 16 : i32
        %mul3A_38 = arith.muli %scan3A_35, %mul3A_37 : i32
        %get3A_39 = arith.index_cast %mul3A_38 : i32 to index
        %get3A_40 = tpu.vector_load %arg6[%get3A_39] {strides = array<i32>} : memref<16384xi32, #tpu.memory_space<vmem>>, vector<16xi32>,
        %gather3A_41 = tpu.vector_load_idx %arg5[%get3A_40] : memref<3972xf32, #tpu.memory_space<vmem>>[vector<16xi32>], vector<16xf32>,
        %mul3A_42 = arith.constant 16 : i32
        %mul3A_43 = arith.muli %scan3A_35, %mul3A_42 : i32
        %swap3A_44 = arith.index_cast %mul3A_43 : i32 to index
        %swap3A_45 = tpu.vector_load %arg7[%swap3A_44] {strides = array<i32>} : memref<16384xf32, #tpu.memory_space<vmem>>, vector<16xf32>,
        tpu.vector_store %arg7[%swap3A_44], %gather3A_41 {strides = array<i32>} : memref<16384xf32, #tpu.memory_space<vmem>>, vector<16xf32>,
        %scan3A_46 = arith.constant 0 : i32
        %scan3A_47 = arith.constant 1 : i32
        %scan3A_48 = arith.addi %scan3A_35, %scan3A_47 : i32
        %mul3A_49 = arith.constant 16 : i32
        %mul3A_50 = arith.muli %scan3A_48, %mul3A_49 : i32
        %get3A_51 = arith.index_cast %mul3A_50 : i32 to index
        %get3A_52 = tpu.vector_load %arg6[%get3A_51] {strides = array<i32>} : memref<16384xi32, #tpu.memory_space<vmem>>, vector<16xi32>,
        %gather3A_53 = tpu.vector_load_idx %arg5[%get3A_52] : memref<3972xf32, #tpu.memory_space<vmem>>[vector<16xi32>], vector<16xf32>,
        %mul3A_54 = arith.constant 16 : i32
        %mul3A_55 = arith.muli %scan3A_48, %mul3A_54 : i32
        %swap3A_56 = arith.index_cast %mul3A_55 : i32 to index
        %swap3A_57 = tpu.vector_load %arg7[%swap3A_56] {strides = array<i32>} : memref<16384xf32, #tpu.memory_space<vmem>>, vector<16xf32>,
        tpu.vector_store %arg7[%swap3A_56], %gather3A_53 {strides = array<i32>} : memref<16384xf32, #tpu.memory_space<vmem>>, vector<16xf32>,
        %scan3A_58 = arith.constant 0 : i32
        %scan3A_59 = arith.constant 2 : i32
        %scan3A_60 = arith.addi %scan3A_35, %scan3A_59 : i32
        %mul3A_61 = arith.constant 16 : i32
        %mul3A_62 = arith.muli %scan3A_60, %mul3A_61 : i32
        %get3A_63 = arith.index_cast %mul3A_62 : i32 to index
        %get3A_64 = tpu.vector_load %arg6[%get3A_63] {strides = array<i32>} : memref<16384xi32, #tpu.memory_space<vmem>>, vector<16xi32>,
        %gather3A_65 = tpu.vector_load_idx %arg5[%get3A_64] : memref<3972xf32, #tpu.memory_space<vmem>>[vector<16xi32>], vector<16xf32>,
        %mul3A_66 = arith.constant 16 : i32
        %mul3A_67 = arith.muli %scan3A_60, %mul3A_66 : i32
        %swap3A_68 = arith.index_cast %mul3A_67 : i32 to index
        %swap3A_69 = tpu.vector_load %arg7[%swap3A_68] {strides = array<i32>} : memref<16384xf32, #tpu.memory_space<vmem>>, vector<16xf32>,
        tpu.vector_store %arg7[%swap3A_68], %gather3A_65 {strides = array<i32>} : memref<16384xf32, #tpu.memory_space<vmem>>, vector<16xf32>,
        %scan3A_70 = arith.constant 0 : i32
        %scan3A_71 = arith.constant 3 : i32
        %scan3A_72 = arith.addi %scan3A_35, %scan3A_71 : i32
        %mul3A_73 = arith.constant 16 : i32
        %mul3A_74 = arith.muli %scan3A_72, %mul3A_73 : i32
        %get3A_75 = arith.index_cast %mul3A_74 : i32 to index
        %get3A_76 = tpu.vector_load %arg6[%get3A_75] {strides = array<i32>} : memref<16384xi32, #tpu.memory_space<vmem>>, vector<16xi32>,
        %gather3A_77 = tpu.vector_load_idx %arg5[%get3A_76] : memref<3972xf32, #tpu.memory_space<vmem>>[vector<16xi32>], vector<16xf32>,
        %mul3A_78 = arith.constant 16 : i32
        %mul3A_79 = arith.muli %scan3A_72, %mul3A_78 : i32
        %swap3A_80 = arith.index_cast %mul3A_79 : i32 to index
        %swap3A_81 = tpu.vector_load %arg7[%swap3A_80] {strides = array<i32>} : memref<16384xf32, #tpu.memory_space<vmem>>, vector<16xf32>,
        tpu.vector_store %arg7[%swap3A_80], %gather3A_77 {strides = array<i32>} : memref<16384xf32, #tpu.memory_space<vmem>>, vector<16xf32>,
        %scan3A_82 = arith.constant 0 : i32
        %scan3A_83 = arith.constant 4 : i32
        %scan3A_84 = arith.addi %scan3A_35, %scan3A_83 : i32
        %mul3A_85 = arith.constant 16 : i32
        %mul3A_86 = arith.muli %scan3A_84, %mul3A_85 : i32
        %get3A_87 = arith.index_cast %mul3A_86 : i32 to index
        %get3A_88 = tpu.vector_load %arg6[%get3A_87] {strides = array<i32>} : memref<16384xi32, #tpu.memory_space<vmem>>, vector<16xi32>,
        %gather3A_89 = tpu.vector_load_idx %arg5[%get3A_88] : memref<3972xf32, #tpu.memory_space<vmem>>[vector<16xi32>], vector<16xf32>,
        %mul3A_90 = arith.constant 16 : i32
        %mul3A_91 = arith.muli %scan3A_84, %mul3A_90 : i32
        %swap3A_92 = arith.index_cast %mul3A_91 : i32 to index
        %swap3A_93 = tpu.vector_load %arg7[%swap3A_92] {strides = array<i32>} : memref<16384xf32, #tpu.memory_space<vmem>>, vector<16xf32>,
        tpu.vector_store %arg7[%swap3A_92], %gather3A_89 {strides = array<i32>} : memref<16384xf32, #tpu.memory_space<vmem>>, vector<16xf32>,
        %scan3A_94 = arith.constant 0 : i32
        %scan3A_95 = arith.constant 5 : i32
        %scan3A_96 = arith.addi %scan3A_35, %scan3A_95 : i32
        %mul3A_97 = arith.constant 16 : i32
        %mul3A_98 = arith.muli %scan3A_96, %mul3A_97 : i32
        %get3A_99 = arith.index_cast %mul3A_98 : i32 to index
        %get3A_100 = tpu.vector_load %arg6[%get3A_99] {strides = array<i32>} : memref<16384xi32, #tpu.memory_space<vmem>>, vector<16xi32>,
        %gather3A_101 = tpu.vector_load_idx %arg5[%get3A_100] : memref<3972xf32, #tpu.memory_space<vmem>>[vector<16xi32>], vector<16xf32>,
        %mul3A_102 = arith.constant 16 : i32
        %mul3A_103 = arith.muli %scan3A_96, %mul3A_102 : i32
        %swap3A_104 = arith.index_cast %mul3A_103 : i32 to index
        %swap3A_105 = tpu.vector_load %arg7[%swap3A_104] {strides = array<i32>} : memref<16384xf32, #tpu.memory_space<vmem>>, vector<16xf32>,
        tpu.vector_store %arg7[%swap3A_104], %gather3A_101 {strides = array<i32>} : memref<16384xf32, #tpu.memory_space<vmem>>, vector<16xf32>,
        %scan3A_106 = arith.constant 0 : i32
        %scan3A_107 = arith.constant 6 : i32
        %scan3A_108 = arith.addi %scan3A_35, %scan3A_107 : i32
        %mul3A_109 = arith.constant 16 : i32
        %mul3A_110 = arith.muli %scan3A_108, %mul3A_109 : i32
        %get3A_111 = arith.index_cast %mul3A_110 : i32 to index
        %get3A_112 = tpu.vector_load %arg6[%get3A_111] {strides = array<i32>} : memref<16384xi32, #tpu.memory_space<vmem>>, vector<16xi32>,
        %gather3A_113 = tpu.vector_load_idx %arg5[%get3A_112] : memref<3972xf32, #tpu.memory_space<vmem>>[vector<16xi32>], vector<16xf32>,
        %mul3A_114 = arith.constant 16 : i32
        %mul3A_115 = arith.muli %scan3A_108, %mul3A_114 : i32
        %swap3A_116 = arith.index_cast %mul3A_115 : i32 to index
        %swap3A_117 = tpu.vector_load %arg7[%swap3A_116] {strides = array<i32>} : memref<16384xf32, #tpu.memory_space<vmem>>, vector<16xf32>,
        tpu.vector_store %arg7[%swap3A_116], %gather3A_113 {strides = array<i32>} : memref<16384xf32, #tpu.memory_space<vmem>>, vector<16xf32>,
        %scan3A_118 = arith.constant 0 : i32
        %scan3A_119 = arith.constant 7 : i32
        %scan3A_120 = arith.addi %scan3A_35, %scan3A_119 : i32
        %mul3A_121 = arith.constant 16 : i32
        %mul3A_122 = arith.muli %scan3A_120, %mul3A_121 : i32
        %get3A_123 = arith.index_cast %mul3A_122 : i32 to index
        %get3A_124 = tpu.vector_load %arg6[%get3A_123] {strides = array<i32>} : memref<16384xi32, #tpu.memory_space<vmem>>, vector<16xi32>,
        %gather3A_125 = tpu.vector_load_idx %arg5[%get3A_124] : memref<3972xf32, #tpu.memory_space<vmem>>[vector<16xi32>], vector<16xf32>,
        %mul3A_126 = arith.constant 16 : i32
        %mul3A_127 = arith.muli %scan3A_120, %mul3A_126 : i32
        %swap3A_128 = arith.index_cast %mul3A_127 : i32 to index
        %swap3A_129 = tpu.vector_load %arg7[%swap3A_128] {strides = array<i32>} : memref<16384xf32, #tpu.memory_space<vmem>>, vector<16xf32>,
        tpu.vector_store %arg7[%swap3A_128], %gather3A_125 {strides = array<i32>} : memref<16384xf32, #tpu.memory_space<vmem>>, vector<16xf32>,
        %scan3A_130 = arith.constant 0 : i32
        scf.yield %scan3A_130 : i32
      }
      %scan3A_33 = arith.constant 1024 : i32
      "tpu.region"() ({
        %run_scoped3A = tpu.sem_alloc : memref<!tpu.dma_semaphore, #tpu.memory_space<semaphore_mem>>
        %dma_start3A = tpu.memref_slice %arg4[%add3A, %mul3A_26] : memref<32x1050625xf32, #tpu.memory_space<hbm>> -> memref<1x16384xf32, #tpu.memory_space<hbm>>
        %dma_start3A_35 = tpu.memref_squeeze %dma_start3A : memref<1x16384xf32, #tpu.memory_space<hbm>> -> memref<16384xf32, #tpu.memory_space<hbm>>
        %dma_start3A_36 = tpu.memref_slice %arg4[%add3A, %mul3A_26] : memref<32x1050625xf32, #tpu.memory_space<hbm>> -> memref<1x16384xf32, #tpu.memory_space<hbm>>
        %dma_start3A_37 = tpu.memref_squeeze %dma_start3A_36 : memref<1x16384xf32, #tpu.memory_space<hbm>> -> memref<16384xf32, #tpu.memory_space<hbm>>
        tpu.enqueue_dma source(%arg7 : memref<16384xf32, #tpu.memory_space<vmem>>) target(%dma_start3A_37 : memref<16384xf32, #tpu.memory_space<hbm>>) target_semaphore(%run_scoped3A : memref<!tpu.dma_semaphore, #tpu.memory_space<semaphore_mem>>)
        %dma_wait3A = tpu.memref_slice %arg4[%add3A, %mul3A_26] : memref<32x1050625xf32, #tpu.memory_space<hbm>> -> memref<1x16384xf32, #tpu.memory_space<hbm>>
        %dma_wait3A_38 = tpu.memref_squeeze %dma_wait3A : memref<1x16384xf32, #tpu.memory_space<hbm>> -> memref<16384xf32, #tpu.memory_space<hbm>>
        %dma_wait3A_39 = tpu.memref_slice %arg4[%add3A, %mul3A_26] : memref<32x1050625xf32, #tpu.memory_space<hbm>> -> memref<1x16384xf32, #tpu.memory_space<hbm>>
        %dma_wait3A_40 = tpu.memref_squeeze %dma_wait3A_39 : memref<1x16384xf32, #tpu.memory_space<hbm>> -> memref<16384xf32, #tpu.memory_space<hbm>>
        tpu.wait_dma2 semaphore(%run_scoped3A : memref<!tpu.dma_semaphore, #tpu.memory_space<semaphore_mem>>) src(%arg7 : memref<16384xf32, #tpu.memory_space<vmem>>) dst(%dma_wait3A_40 : memref<16384xf32, #tpu.memory_space<hbm>>)
        tpu.yield
      }) : () -> ()
      %scan3A_34 = arith.constant 0 : i32
      scf.yield %scan3A_34 : i32
    }
    %scan3A_6 = arith.constant 64 : i32
    "tpu.region"() ({
      %run_scoped3A = tpu.sem_alloc : memref<!tpu.dma_semaphore, #tpu.memory_space<semaphore_mem>>
      %dma_start3A = arith.constant 0 : i32
      %dma_start3A_23 = tpu.memref_slice %arg6[%dma_start3A] : memref<16384xi32, #tpu.memory_space<vmem>> -> memref<2064xi32, #tpu.memory_space<vmem>>
      %dma_start3A_24 = arith.constant 1048576 : i32
      %dma_start3A_25 = tpu.memref_slice %arg3[%dma_start3A_24] : memref<1050640xi32, #tpu.memory_space<hbm>> -> memref<2064xi32, #tpu.memory_space<hbm>>
      %dma_start3A_26 = arith.constant 0 : i32
      %dma_start3A_27 = tpu.memref_slice %arg6[%dma_start3A_26] : memref<16384xi32, #tpu.memory_space<vmem>> -> memref<2064xi32, #tpu.memory_space<vmem>>
      %dma_start3A_28 = arith.constant 1048576 : i32
      %dma_start3A_29 = tpu.memref_slice %arg3[%dma_start3A_28] : memref<1050640xi32, #tpu.memory_space<hbm>> -> memref<2064xi32, #tpu.memory_space<hbm>>
      tpu.enqueue_dma source(%dma_start3A_29 : memref<2064xi32, #tpu.memory_space<hbm>>) target(%dma_start3A_27 : memref<2064xi32, #tpu.memory_space<vmem>>) target_semaphore(%run_scoped3A : memref<!tpu.dma_semaphore, #tpu.memory_space<semaphore_mem>>)
      %dma_wait3A = arith.constant 0 : i32
      %dma_wait3A_30 = tpu.memref_slice %arg6[%dma_wait3A] : memref<16384xi32, #tpu.memory_space<vmem>> -> memref<2064xi32, #tpu.memory_space<vmem>>
      %dma_wait3A_31 = arith.constant 1048576 : i32
      %dma_wait3A_32 = tpu.memref_slice %arg3[%dma_wait3A_31] : memref<1050640xi32, #tpu.memory_space<hbm>> -> memref<2064xi32, #tpu.memory_space<hbm>>
      %dma_wait3A_33 = arith.constant 0 : i32
      %dma_wait3A_34 = tpu.memref_slice %arg6[%dma_wait3A_33] : memref<16384xi32, #tpu.memory_space<vmem>> -> memref<2064xi32, #tpu.memory_space<vmem>>
      %dma_wait3A_35 = arith.constant 1048576 : i32
      %dma_wait3A_36 = tpu.memref_slice %arg3[%dma_wait3A_35] : memref<1050640xi32, #tpu.memory_space<hbm>> -> memref<2064xi32, #tpu.memory_space<hbm>>
      tpu.wait_dma2 semaphore(%run_scoped3A : memref<!tpu.dma_semaphore, #tpu.memory_space<semaphore_mem>>) src(%dma_wait3A_36 : memref<2064xi32, #tpu.memory_space<hbm>>) dst(%dma_wait3A_34 : memref<2064xi32, #tpu.memory_space<vmem>>)
      tpu.yield
    }) : () -> ()
    %scan3A_7 = arith.constant 0 : i32
    %scan3A_8 = arith.constant 0 : i32
    %scan3A_9 = arith.constant 128 : i32
    %scan3A_10 = arith.addi %scan3A_8, %scan3A_9 : i32
    %scan3A_11 = arith.constant 8 : i32
    %scan3A_12 = scf.for %scan3A_23 = %scan3A_8 to %scan3A_10 step %scan3A_11 iter_args(%scan3A_24 = %scan3A_7) -> (i32)  : i32 {
      %mul3A_25 = arith.constant 16 : i32
      %mul3A_26 = arith.muli %scan3A_23, %mul3A_25 : i32
      %get3A_27 = arith.index_cast %mul3A_26 : i32 to index
      %get3A_28 = tpu.vector_load %arg6[%get3A_27] {strides = array<i32>} : memref<16384xi32, #tpu.memory_space<vmem>>, vector<16xi32>,
      %gather3A_29 = tpu.vector_load_idx %arg5[%get3A_28] : memref<3972xf32, #tpu.memory_space<vmem>>[vector<16xi32>], vector<16xf32>,
      %mul3A_30 = arith.constant 16 : i32
      %mul3A_31 = arith.muli %scan3A_23, %mul3A_30 : i32
      %swap3A_32 = arith.index_cast %mul3A_31 : i32 to index
      %swap3A_33 = tpu.vector_load %arg7[%swap3A_32] {strides = array<i32>} : memref<16384xf32, #tpu.memory_space<vmem>>, vector<16xf32>,
      tpu.vector_store %arg7[%swap3A_32], %gather3A_29 {strides = array<i32>} : memref<16384xf32, #tpu.memory_space<vmem>>, vector<16xf32>,
      %scan3A_34 = arith.constant 0 : i32
      %scan3A_35 = arith.constant 1 : i32
      %scan3A_36 = arith.addi %scan3A_23, %scan3A_35 : i32
      %mul3A_37 = arith.constant 16 : i32
      %mul3A_38 = arith.muli %scan3A_36, %mul3A_37 : i32
      %get3A_39 = arith.index_cast %mul3A_38 : i32 to index
      %get3A_40 = tpu.vector_load %arg6[%get3A_39] {strides = array<i32>} : memref<16384xi32, #tpu.memory_space<vmem>>, vector<16xi32>,
      %gather3A_41 = tpu.vector_load_idx %arg5[%get3A_40] : memref<3972xf32, #tpu.memory_space<vmem>>[vector<16xi32>], vector<16xf32>,
      %mul3A_42 = arith.constant 16 : i32
      %mul3A_43 = arith.muli %scan3A_36, %mul3A_42 : i32
      %swap3A_44 = arith.index_cast %mul3A_43 : i32 to index
      %swap3A_45 = tpu.vector_load %arg7[%swap3A_44] {strides = array<i32>} : memref<16384xf32, #tpu.memory_space<vmem>>, vector<16xf32>,
      tpu.vector_store %arg7[%swap3A_44], %gather3A_41 {strides = array<i32>} : memref<16384xf32, #tpu.memory_space<vmem>>, vector<16xf32>,
      %scan3A_46 = arith.constant 0 : i32
      %scan3A_47 = arith.constant 2 : i32
      %scan3A_48 = arith.addi %scan3A_23, %scan3A_47 : i32
      %mul3A_49 = arith.constant 16 : i32
      %mul3A_50 = arith.muli %scan3A_48, %mul3A_49 : i32
      %get3A_51 = arith.index_cast %mul3A_50 : i32 to index
      %get3A_52 = tpu.vector_load %arg6[%get3A_51] {strides = array<i32>} : memref<16384xi32, #tpu.memory_space<vmem>>, vector<16xi32>,
      %gather3A_53 = tpu.vector_load_idx %arg5[%get3A_52] : memref<3972xf32, #tpu.memory_space<vmem>>[vector<16xi32>], vector<16xf32>,
      %mul3A_54 = arith.constant 16 : i32
      %mul3A_55 = arith.muli %scan3A_48, %mul3A_54 : i32
      %swap3A_56 = arith.index_cast %mul3A_55 : i32 to index
      %swap3A_57 = tpu.vector_load %arg7[%swap3A_56] {strides = array<i32>} : memref<16384xf32, #tpu.memory_space<vmem>>, vector<16xf32>,
      tpu.vector_store %arg7[%swap3A_56], %gather3A_53 {strides = array<i32>} : memref<16384xf32, #tpu.memory_space<vmem>>, vector<16xf32>,
      %scan3A_58 = arith.constant 0 : i32
      %scan3A_59 = arith.constant 3 : i32
      %scan3A_60 = arith.addi %scan3A_23, %scan3A_59 : i32
      %mul3A_61 = arith.constant 16 : i32
      %mul3A_62 = arith.muli %scan3A_60, %mul3A_61 : i32
      %get3A_63 = arith.index_cast %mul3A_62 : i32 to index
      %get3A_64 = tpu.vector_load %arg6[%get3A_63] {strides = array<i32>} : memref<16384xi32, #tpu.memory_space<vmem>>, vector<16xi32>,
      %gather3A_65 = tpu.vector_load_idx %arg5[%get3A_64] : memref<3972xf32, #tpu.memory_space<vmem>>[vector<16xi32>], vector<16xf32>,
      %mul3A_66 = arith.constant 16 : i32
      %mul3A_67 = arith.muli %scan3A_60, %mul3A_66 : i32
      %swap3A_68 = arith.index_cast %mul3A_67 : i32 to index
      %swap3A_69 = tpu.vector_load %arg7[%swap3A_68] {strides = array<i32>} : memref<16384xf32, #tpu.memory_space<vmem>>, vector<16xf32>,
      tpu.vector_store %arg7[%swap3A_68], %gather3A_65 {strides = array<i32>} : memref<16384xf32, #tpu.memory_space<vmem>>, vector<16xf32>,
      %scan3A_70 = arith.constant 0 : i32
      %scan3A_71 = arith.constant 4 : i32
      %scan3A_72 = arith.addi %scan3A_23, %scan3A_71 : i32
      %mul3A_73 = arith.constant 16 : i32
      %mul3A_74 = arith.muli %scan3A_72, %mul3A_73 : i32
      %get3A_75 = arith.index_cast %mul3A_74 : i32 to index
      %get3A_76 = tpu.vector_load %arg6[%get3A_75] {strides = array<i32>} : memref<16384xi32, #tpu.memory_space<vmem>>, vector<16xi32>,
      %gather3A_77 = tpu.vector_load_idx %arg5[%get3A_76] : memref<3972xf32, #tpu.memory_space<vmem>>[vector<16xi32>], vector<16xf32>,
      %mul3A_78 = arith.constant 16 : i32
      %mul3A_79 = arith.muli %scan3A_72, %mul3A_78 : i32
      %swap3A_80 = arith.index_cast %mul3A_79 : i32 to index
      %swap3A_81 = tpu.vector_load %arg7[%swap3A_80] {strides = array<i32>} : memref<16384xf32, #tpu.memory_space<vmem>>, vector<16xf32>,
      tpu.vector_store %arg7[%swap3A_80], %gather3A_77 {strides = array<i32>} : memref<16384xf32, #tpu.memory_space<vmem>>, vector<16xf32>,
      %scan3A_82 = arith.constant 0 : i32
      %scan3A_83 = arith.constant 5 : i32
      %scan3A_84 = arith.addi %scan3A_23, %scan3A_83 : i32
      %mul3A_85 = arith.constant 16 : i32
      %mul3A_86 = arith.muli %scan3A_84, %mul3A_85 : i32
      %get3A_87 = arith.index_cast %mul3A_86 : i32 to index
      %get3A_88 = tpu.vector_load %arg6[%get3A_87] {strides = array<i32>} : memref<16384xi32, #tpu.memory_space<vmem>>, vector<16xi32>,
      %gather3A_89 = tpu.vector_load_idx %arg5[%get3A_88] : memref<3972xf32, #tpu.memory_space<vmem>>[vector<16xi32>], vector<16xf32>,
      %mul3A_90 = arith.constant 16 : i32
      %mul3A_91 = arith.muli %scan3A_84, %mul3A_90 : i32
      %swap3A_92 = arith.index_cast %mul3A_91 : i32 to index
      %swap3A_93 = tpu.vector_load %arg7[%swap3A_92] {strides = array<i32>} : memref<16384xf32, #tpu.memory_space<vmem>>, vector<16xf32>,
      tpu.vector_store %arg7[%swap3A_92], %gather3A_89 {strides = array<i32>} : memref<16384xf32, #tpu.memory_space<vmem>>, vector<16xf32>,
      %scan3A_94 = arith.constant 0 : i32
      %scan3A_95 = arith.constant 6 : i32
      %scan3A_96 = arith.addi %scan3A_23, %scan3A_95 : i32
      %mul3A_97 = arith.constant 16 : i32
      %mul3A_98 = arith.muli %scan3A_96, %mul3A_97 : i32
      %get3A_99 = arith.index_cast %mul3A_98 : i32 to index
      %get3A_100 = tpu.vector_load %arg6[%get3A_99] {strides = array<i32>} : memref<16384xi32, #tpu.memory_space<vmem>>, vector<16xi32>,
      %gather3A_101 = tpu.vector_load_idx %arg5[%get3A_100] : memref<3972xf32, #tpu.memory_space<vmem>>[vector<16xi32>], vector<16xf32>,
      %mul3A_102 = arith.constant 16 : i32
      %mul3A_103 = arith.muli %scan3A_96, %mul3A_102 : i32
      %swap3A_104 = arith.index_cast %mul3A_103 : i32 to index
      %swap3A_105 = tpu.vector_load %arg7[%swap3A_104] {strides = array<i32>} : memref<16384xf32, #tpu.memory_space<vmem>>, vector<16xf32>,
      tpu.vector_store %arg7[%swap3A_104], %gather3A_101 {strides = array<i32>} : memref<16384xf32, #tpu.memory_space<vmem>>, vector<16xf32>,
      %scan3A_106 = arith.constant 0 : i32
      %scan3A_107 = arith.constant 7 : i32
      %scan3A_108 = arith.addi %scan3A_23, %scan3A_107 : i32
      %mul3A_109 = arith.constant 16 : i32
      %mul3A_110 = arith.muli %scan3A_108, %mul3A_109 : i32
      %get3A_111 = arith.index_cast %mul3A_110 : i32 to index
      %get3A_112 = tpu.vector_load %arg6[%get3A_111] {strides = array<i32>} : memref<16384xi32, #tpu.memory_space<vmem>>, vector<16xi32>,
      %gather3A_113 = tpu.vector_load_idx %arg5[%get3A_112] : memref<3972xf32, #tpu.memory_space<vmem>>[vector<16xi32>], vector<16xf32>,
      %mul3A_114 = arith.constant 16 : i32
      %mul3A_115 = arith.muli %scan3A_108, %mul3A_114 : i32
      %swap3A_116 = arith.index_cast %mul3A_115 : i32 to index
      %swap3A_117 = tpu.vector_load %arg7[%swap3A_116] {strides = array<i32>} : memref<16384xf32, #tpu.memory_space<vmem>>, vector<16xf32>,
      tpu.vector_store %arg7[%swap3A_116], %gather3A_113 {strides = array<i32>} : memref<16384xf32, #tpu.memory_space<vmem>>, vector<16xf32>,
      %scan3A_118 = arith.constant 0 : i32
      scf.yield %scan3A_118 : i32
    }
    %scan3A_13 = arith.constant 128 : i32
    %scan3A_14 = arith.addi %scan3A_8, %scan3A_13 : i32
    %mul3A_15 = arith.constant 16 : i32
    %mul3A_16 = arith.muli %scan3A_14, %mul3A_15 : i32
    %get3A = arith.index_cast %mul3A_16 : i32 to index
    %get3A_17 = tpu.vector_load %arg6[%get3A] {strides = array<i32>} : memref<16384xi32, #tpu.memory_space<vmem>>, vector<16xi32>,
    %gather3A = tpu.vector_load_idx %arg5[%get3A_17] : memref<3972xf32, #tpu.memory_space<vmem>>[vector<16xi32>], vector<16xf32>,
    %mul3A_18 = arith.constant 16 : i32
    %mul3A_19 = arith.muli %scan3A_14, %mul3A_18 : i32
    %swap3A = arith.index_cast %mul3A_19 : i32 to index
    %swap3A_20 = tpu.vector_load %arg7[%swap3A] {strides = array<i32>} : memref<16384xf32, #tpu.memory_space<vmem>>, vector<16xf32>,
    tpu.vector_store %arg7[%swap3A], %gather3A {strides = array<i32>} : memref<16384xf32, #tpu.memory_space<vmem>>, vector<16xf32>,
    %scan3A_21 = arith.constant 0 : i32
    %scan3A_22 = arith.constant 129 : i32
    "tpu.region"() ({
      %run_scoped3A = tpu.sem_alloc : memref<!tpu.dma_semaphore, #tpu.memory_space<semaphore_mem>>
      %dma_start3A = arith.constant 0 : i32
      %dma_start3A_23 = tpu.memref_slice %arg7[%dma_start3A] : memref<16384xf32, #tpu.memory_space<vmem>> -> memref<2049xf32, #tpu.memory_space<vmem>>
      %dma_start3A_24 = arith.constant 1048576 : i32
      %dma_start3A_25 = tpu.memref_slice %arg4[%add3A, %dma_start3A_24] : memref<32x1050625xf32, #tpu.memory_space<hbm>> -> memref<1x2049xf32, #tpu.memory_space<hbm>>
      %dma_start3A_26 = tpu.memref_squeeze %dma_start3A_25 : memref<1x2049xf32, #tpu.memory_space<hbm>> -> memref<2049xf32, #tpu.memory_space<hbm>>
      %dma_start3A_27 = arith.constant 1048576 : i32
      %dma_start3A_28 = tpu.memref_slice %arg4[%add3A, %dma_start3A_27] : memref<32x1050625xf32, #tpu.memory_space<hbm>> -> memref<1x2049xf32, #tpu.memory_space<hbm>>
      %dma_start3A_29 = tpu.memref_squeeze %dma_start3A_28 : memref<1x2049xf32, #tpu.memory_space<hbm>> -> memref<2049xf32, #tpu.memory_space<hbm>>
      %dma_start3A_30 = arith.constant 0 : i32
      %dma_start3A_31 = tpu.memref_slice %arg7[%dma_start3A_30] : memref<16384xf32, #tpu.memory_space<vmem>> -> memref<2049xf32, #tpu.memory_space<vmem>>
      tpu.enqueue_dma source(%dma_start3A_31 : memref<2049xf32, #tpu.memory_space<vmem>>) target(%dma_start3A_29 : memref<2049xf32, #tpu.memory_space<hbm>>) target_semaphore(%run_scoped3A : memref<!tpu.dma_semaphore, #tpu.memory_space<semaphore_mem>>)
      %dma_wait3A = arith.constant 0 : i32
      %dma_wait3A_32 = tpu.memref_slice %arg7[%dma_wait3A] : memref<16384xf32, #tpu.memory_space<vmem>> -> memref<2049xf32, #tpu.memory_space<vmem>>
      %dma_wait3A_33 = arith.constant 1048576 : i32
      %dma_wait3A_34 = tpu.memref_slice %arg4[%add3A, %dma_wait3A_33] : memref<32x1050625xf32, #tpu.memory_space<hbm>> -> memref<1x2049xf32, #tpu.memory_space<hbm>>
      %dma_wait3A_35 = tpu.memref_squeeze %dma_wait3A_34 : memref<1x2049xf32, #tpu.memory_space<hbm>> -> memref<2049xf32, #tpu.memory_space<hbm>>
      %dma_wait3A_36 = arith.constant 1048576 : i32
      %dma_wait3A_37 = tpu.memref_slice %arg4[%add3A, %dma_wait3A_36] : memref<32x1050625xf32, #tpu.memory_space<hbm>> -> memref<1x2049xf32, #tpu.memory_space<hbm>>
      %dma_wait3A_38 = tpu.memref_squeeze %dma_wait3A_37 : memref<1x2049xf32, #tpu.memory_space<hbm>> -> memref<2049xf32, #tpu.memory_space<hbm>>
      %dma_wait3A_39 = arith.constant 0 : i32
      %dma_wait3A_40 = tpu.memref_slice %arg7[%dma_wait3A_39] : memref<16384xf32, #tpu.memory_space<vmem>> -> memref<2049xf32, #tpu.memory_space<vmem>>
      tpu.wait_dma2 semaphore(%run_scoped3A : memref<!tpu.dma_semaphore, #tpu.memory_space<semaphore_mem>>) src(%dma_wait3A_40 : memref<2049xf32, #tpu.memory_space<vmem>>) dst(%dma_wait3A_38 : memref<2049xf32, #tpu.memory_space<hbm>>)
      tpu.yield
    }) : () -> ()
    return
  }
}

</mosaic_0001>

<sc_bundles>
// kernel: kernel.3.cloned.1.call-start
scs
__scs_entry_jumppad:
0x0: {  	(pc) =	sbr.rel $0x88, $3  }
0x1: {  	(tag) =	ssettag $0x0;
	lr =	simm.s32 $0x1  }
0x2: {  	[smem:$0x3F9F] =	sst lr;
	_ =	strace $0xD0000000  }
0x3: {  	_ = 	snop  }
0x4: {  	_ = 	snop  }
0x5: {  	_ = 	snop  }
0x6: {  	_ = 	snop  }
0x7: {  	_ = 	snop  }
__scs_overlays_trampoline_lowered:
0x8: {  	[smem:$0x3FAE] =	sst s0  }
0x9: {  	[smem:$0x3FAF] =	sst s1  }
0xa: {  	[smem:$0x3FB0] =	sst s2  }
0xb: {  	[smem:$0x3FB1] =	sst s3  }
0xc: {  	[smem:$0x3FB2] =	sst s4  }
0xd: {  	[smem:$0x3FB3] =	sst s5  }
0xe: {  	[smem:$0x3FB4] =	sst s6  }
0xf: {  	[smem:$0x3FB5] =	sst s7  }
0x10: {  	[smem:$0x3FB6] =	sst s8  }
0x11: {  	[smem:$0x3FB7] =	sst s9;
	s0 =	simm.s32 @!p0 $0x0  }
0x12: {  	s1 =	sld [smem:$0x3F9D];
	s0 =	simm.s32 @p0 $0x1  }
0x13: {  	[smem:$0x3FB8] =	sst s0;
	s0 =	simm.s32 @!p1 $0x0  }
0x14: {  	s2 =	sld [smem:$0x3F9C];
	s0 =	simm.s32 @p1 $0x1  }
0x15: {  	[smem:$0x3FB9] =	sst s0;
	s0 =	simm.s32 @!p2 $0x0  }
0x16: {  	s3 =	sld [smem:$0x3FDB];
	s0 =	simm.s32 @p2 $0x1  }
0x17: {  	s4 =	simm.s32 $0x1BF5;
	[smem:$0x3FBB] =	sst s0  }
0x18: {  	s0 =	sld [smem:$0x3F9E];
	_ =	swait.ge [sflag:s4], $0x0  }
0x19: {  	s7 =	sld [smem:$0x3F9F]  }
0x1a: {  	s8 =	sadd.s32 $0xFFFFE003, lr  }
0x1b: {  	s9 =	sadd.s32 $0xFFFFFEF7, lr;
	s5 =	simm.s32 $0xFFFFFFFF;
	p2 =	slt.u32 s8, $0xFFFFF086  }
0x1c: {  	p1 =	slt.u32 s9, $0xF7A;
	s5 =	simm.s32 @!p2 $0x0  }
0x1d: {  	s5 =	simm.s32 @p1 $0x1;
	p0 =	seq.s32 s7, s2  }
0x1e: {  	s7 =	smul.u32 @!p0 $0xF7A, s2;
	p2 =	seq.s32 @!p0 s5, $0x0  }
0x1f: {  	s9 =	smul.u32 $0xF7A, s1;
	s8 =	simm.s32 @!p0 $0x1BF5;
	p2 =	por !p2, p0  }
0x20: {  	[sflag:s8] =	ssyncset.s32 @!p0 $0xFFFFF086;
	s6 =	sadd.s32 @!p0 s3, s7;
	s7 =	simm.s32 @!p0 $0x108  }
0x21: {  	s3 =	sadd.s32 s3, s9;
	s6 =	sadd.s32 @!p0 $0x88, s6;
	s7 =	simm.s32 @p2 $0x1082  }
0x22: {  	[simem:s7], [sflag:s8] =	dma.local @!p0 [hbm:s6], $0xF7A  }
0x23: {  	s9 =	sor.u32 $0xD0000000, s2;
	s6 =	simm.s32 $0x108;
	_ =	swait.ge @!p0 [sflag:s8], $0x0  }
0x24: {  	s3 =	sadd.s32 $0x88, s3;
	s6 =	simm.s32 @!p1 $0x1082;
	[sflag:s4] =	ssyncset.s32 $0xFFFFF086  }
0x25: {  	[simem:s6], [sflag:s4] =	dma.local [hbm:s3], $0xF7A  }
0x26: {  	[smem:$0x3F9F] =	sst s1;
	(tag) =	ssettag s2;
	_ =	strace s9  }
0x27: {  	s1 =	sld [smem:$0x3FAF]  }
0x28: {  	s2 =	sld [smem:$0x3FB0]  }
0x29: {  	s4 =	sld [smem:$0x3FB2]  }
0x2a: {  	p0 =	seq.s32 s5, $0x0;
	s5 =	sld [smem:$0x3FB3]  }
0x2b: {  	s6 =	sld [smem:$0x3FB4]  }
0x2c: {  	s7 =	sld [smem:$0x3FB5]  }
0x2d: {  	s3 =	simm.s32 $0x108;
	s8 =	sld [smem:$0x3FB6]  }
0x2e: {  	s3 =	simm.s32 @!p0 $0x1082;
	s9 =	sld [smem:$0x3FB7]  }
0x2f: {  	lr =	sadd.s32 s0, s3;
	s0 =	sld [smem:$0x3FAE]  }
0x30: {  	s3 =	sld [smem:$0x3FB1]  }
0x31: {  	[smem:$0x3FBA] =	sst s10  }
0x32: {  	s10 =	sld [smem:$0x3FB8];
	_ =	sdelay $0x3  }
0x33: {  	p0 =	seq.s32 s10, $0x1;
	s10 =	sld [smem:$0x3FBA];
	_ =	sdelay $0x3  }
0x34: {  	[smem:$0x3FBA] =	sst s10  }
0x35: {  	s10 =	sld [smem:$0x3FB9];
	_ =	sdelay $0x3  }
0x36: {  	p1 =	seq.s32 s10, $0x1;
	s10 =	sld [smem:$0x3FBA];
	_ =	sdelay $0x3  }
0x37: {  	[smem:$0x3FBA] =	sst s10  }
0x38: {  	s10 =	sld [smem:$0x3FBB]  }
0x39: {  	_ = 	snop;
	(pc) =	sbr.ind lr, $3  }
0x3a: {  	_ = 	snop  }
0x3b: {  	_ = 	snop  }
0x3c: {  	p2 =	seq.s32 s10, $0x1;
	s10 =	sld [smem:$0x3FBA]  }
0x3d: {  	_ =	shalt  }
0x3e: {  	_ =	shalt  }
0x3f: {  	_ =	shalt  }
0x40: {  	_ =	shalt  }
0x41: {  	_ =	shalt  }
0x42: {  	_ =	shalt  }
0x43: {  	_ =	shalt  }
0x44: {  	_ =	shalt  }
0x45: {  	_ =	shalt  }
0x46: {  	_ =	shalt  }
0x47: {  	_ =	shalt  }
0x48: {  	_ =	shalt  }
0x49: {  	_ =	shalt  }
0x4a: {  	_ =	shalt  }
0x4b: {  	_ =	shalt  }
0x4c: {  	_ =	shalt  }
0x4d: {  	_ =	shalt  }
0x4e: {  	_ =	shalt  }
0x4f: {  	_ =	shalt  }
0x50: {  	_ =	shalt  }
0x51: {  	_ =	shalt  }
0x52: {  	_ =	shalt  }
0x53: {  	_ =	shalt  }
0x54: {  	_ =	shalt  }
0x55: {  	_ =	shalt  }
0x56: {  	_ =	shalt  }
0x57: {  	_ =	shalt  }
0x58: {  	_ =	shalt  }
0x59: {  	_ =	shalt  }
0x5a: {  	_ =	shalt  }
0x5b: {  	_ =	shalt  }
0x5c: {  	_ =	shalt  }
0x5d: {  	_ =	shalt  }
0x5e: {  	_ =	shalt  }
0x5f: {  	_ =	shalt  }
0x60: {  	_ =	shalt  }
0x61: {  	_ =	shalt  }
0x62: {  	_ =	shalt  }
0x63: {  	_ =	shalt  }
0x64: {  	_ =	shalt  }
0x65: {  	_ =	shalt  }
0x66: {  	_ =	shalt  }
0x67: {  	_ =	shalt  }
0x68: {  	_ =	shalt  }
0x69: {  	_ =	shalt  }
0x6a: {  	_ =	shalt  }
0x6b: {  	_ =	shalt  }
0x6c: {  	_ =	shalt  }
0x6d: {  	_ =	shalt  }
0x6e: {  	_ =	shalt  }
0x6f: {  	_ =	shalt  }
0x70: {  	_ =	shalt  }
0x71: {  	_ =	shalt  }
0x72: {  	_ =	shalt  }
0x73: {  	_ =	shalt  }
0x74: {  	_ =	shalt  }
0x75: {  	_ =	shalt  }
0x76: {  	_ =	shalt  }
0x77: {  	_ =	shalt  }
0x78: {  	_ =	shalt  }
0x79: {  	_ =	shalt  }
0x7a: {  	_ =	shalt  }
0x7b: {  	_ =	shalt  }
0x7c: {  	_ =	shalt  }
0x7d: {  	_ =	shalt  }
0x7e: {  	_ =	shalt  }
0x7f: {  	_ =	shalt  }
0x80: {  	_ =	shalt  }
0x81: {  	_ =	shalt  }
0x82: {  	_ =	shalt  }
0x83: {  	_ =	shalt  }
0x84: {  	_ =	shalt  }
0x85: {  	_ =	shalt  }
0x86: {  	_ =	shalt  }
0x87: {  	_ =	shalt  }
.Lfunc_end0:
.L_simem_size_0:
called_computation_lowered:
.L_overlay_start_0:
0x88: {  	s2 =	sld [smem:$0x3FD9]  }
0x89: {  	s3 =	sld [smem:$0x3FFE];
	_ =	sdelay $0x1  }
0x8a: {  	s1 =	srdreg.scid  }
0x8b: {  	s0 =	sand.u32 $0x1, s1  }
0x8c: {  	s16 =	sshll.u32 s0, $0xA;
	s2 =	sadd.s32 s3, s2  }
0x8d: {  	s2 =	sadd.s32 s2, s16  }
0x8e: {  	[smem:$0x3FC6] =	sst s2  }
0x8f: {  	_ = 	snop  }
0x90: {  	(tm) =	ssettm $0x1  }
0x91: {  	s17 =	sld [smem:$0x3FFB];
	_ =	sdelay $0x3  }
0x92: {  	_ =	strace s17  }
0x93: {  	s2 =	sld [smem:$0x3FFC];
	_ =	sdelay $0x3  }
0x94: {  	_ =	strace s2  }
0x95: {  	s2 =	sld [smem:$0x3FFD];
	_ =	sdelay $0x3  }
0x96: {  	_ =	strace s2  }
0x97: {  	_ =	strace $0x8FFFFFFF  }
0x98: {  	s18 =	sld [smem:$0x3FDB];
	_ =	sdelay $0x1  }
0x99: {  	s19 =	simm.s32 $_scs_section_size  }
0x9a: {  	s4 =	simm.s32 $_size__tile_overlayer_lowered;
	s5 =	simm.s32 $_tile_overlayer_lowered  }
0x9b: {  	s22 =	simm.s32 $0x1BFF;
	s21 =	sshll.u32 s5, $0x1;
	s2 =	sadd.s32 s19, s18  }
0x9c: {  	s6 =	simm.s32 $0x0;
	s20 =	sshll.u32 s4, $0x1;
	s4 =	sadd.s32 s21, s2  }
0x9d: {  	[timem:s6], [sflag:s22] =	dma.local [hbm:s4], s20  }
0x9e: {  	_ =	swait.ge [sflag:s22], s20  }
0x9f: {  	s3 =	ssub.s32 $0x0, s20;
	[sflag:s22] =	ssyncset.done $0x0  }
0xa0: {  	[sflag:s22] =	ssyncadd.s32 s3;
	_ =	sdelay $0x1  }
0xa1: {  	s23 =	simm.s32 $0x1B8B  }
0xa2: {  	_ =	swait.ge [sflag:s23], $0x1  }
0xa3: {  	[sflag:s23] =	ssyncset.done $0x0  }
0xa4: {  	s25 =	simm.s32 $0x1B8E;
	s24 =	sld [smem:$0x3FFE];
	[sflag:s23] =	ssyncadd.s32 $0xFFFFFFFF  }
0xa5: {  	s26 =	simm.s32 $execute0_lowered;
	[smem:$0x3FD2] =	sst s25  }
0xa6: {  	s4 =	sshll.u32 s26, $0x1;
	_ =	strace $0x80000046;
	[dreg:$0x1] =	wrdreg $0xFFFFFFFF  }
0xa7: {  	s28 =	simm.s32 $_size_execute0_lowered;
	s2 =	sadd.s32 s2, s4;
	[dreg:$0x0] =	wrdreg $0x0  }
0xa8: {  	s4 =	sshll.u32 s28, $0x1;
	[dreg:$0x2] =	wrdreg s2  }
0xa9: {  	[dreg:$0x3] =	wrdreg s4  }
0xaa: {  	[dreg:$0x4] =	wrdreg $0xC0  }
0xab: {  	_ =	task [dreg:s6], $0x5FFFF  }
0xac: {  	[dreg:$0x1] =	wrdreg $0xFFFFFFFF  }
0xad: {  	[dreg:$0x0] =	wrdreg $0x60  }
0xae: {  	[dreg:$0x2] =	wrdreg s24  }
0xaf: {  	[dreg:$0x3] =	wrdreg $0x9  }
0xb0: {  	_ =	task.clear_ibuf [dreg:s6], $0x4FFFF;
	_ =	strace $0x90000046  }
0xb1: {  	s29 =	simm.s32 $0x9;
	_ =	strace $0x80000048  }
0xb2: {  	_ =	swait.ge [sflag:s29], $0x1  }
0xb3: {  	[sflag:s29] =	ssyncadd.s32 $0xFFFFFFFF  }
0xb4: {  	_ =	strace $0x90000048  }
0xb5: {  	_ =	sfence  }
0xb6: {  	s30 =	sld [smem:$0x0];
	_ =	sdelay $0x2  }
0xb7: {  	s31 =	sshll.u32 s1, $0xD;
	s1 =	sshrl.u32 s1, $0x2  }
0xb8: {  	s3 =	sand.u32 $0x4000, s31;
	s1 =	sadd.s32 s1, s30  }
0xb9: {  	s0 =	sor.u32 s3, s0;
	s1 =	sshll.u32 s1, $0x11  }
0xba: {  	s0 =	sor.u32 s1, s0  }
0xbb: {  	s0 =	sadd.s32 $0x8F2B, s0  }
0xbc: {  	[sflag:s0] =	ssyncadd.remote.s32 $0x1  }
0xbd: {  	_ =	sfence.sel $0xFFFF  }
0xbe: {  	[dreg:$0x0] =	wrdreg $0xFFFFFFFF;
	(pc) =	sbr.abs _section_cstart, $3  }
0xbf: {  	[dreg:$0x1] =	wrdreg $0xFFFFFFFF  }
0xc0: {  	_ =	task.clear_ibuf [dreg:s6], $0x2FFFF;
	_ =	strace $0x9FFFFFFF  }
0xc1: {  	(tm) =	ssettm $0x7FFFFFFF  }
tec
execute0_lowered:
.L_overlay_start_1:
0x0: {  	(tag) =	ssettag $0x1  }
0x1: {  	s1 =	srdreg.scid  }
0x2: {  	s0 =	stileid.u32;
	s7 =	rddreg [dreg:$0x0];
	s2 =	simm.s32 $0x0  }
0x3: {  	s11 =	simm.s32 $0xF88;
	s3 =	sand.u32 $0x1, s1;
	s4 =	sshll.u32 s0, $0x1  }
0x4: {  	s12 =	simm.s32 $0x4F88;
	s13 =	simm.s32 $0x0;
	s4 =	sor.u32 s3, s4  }
0x5: {  	s1 =	rddreg [dreg:$0x1];
	s6 =	ssub.s32 $0x2, s3;
	s5 =	smul.u32 $0x1F1, s4  }
0x6: {  	[smem:$0x7FF] =	sst s2;
	s3 =	smul.u32 $0x100808, s4;
	s9 =	sshrl.u32 s6, $0x1  }
0x7: {  	_ =	strace $0x80000047;
	s4 =	sadd.s32 $0x4A00, s7;
	s9 =	ssub.s32 s6, s9  }
0x8: {  	s8 =	sadd.s32 s5, s7;
	s5 =	sadd.s32 $0x24C00, s7;
	s10 =	sshrl.u32 s3, $0x3  }
0x9: {  	s7 =	sadd.s32 $0x24A00, s7;
	s9 =	smax.u32 s9, $0x1;
	s31 =	sadd.s32 s5, s10  }
0xa: {  	s6 =	sadd.s32 $0xA00, s8;
	s10 =	simm.s32 $0x1;
	s8 =	sadd.s32 $0x20000, s31  }
.LBB2_1:
0xb: {  	[tilespmem:s2], [sflag:$0x1] =	stream.linear.gather [hbm4b:s6+s2], $0xF88, $0x38;
	[tilespmem:$0x8F88] =	vst v63  }
0xc: {  	_ =	swait.ge [sflag:s10], $0xF88  }
0xd: {  	[sflag:s10] =	ssyncset.done $0x0  }
0xe: {  	s14 =	simm.s32 $0x0;
	[sflag:s10] =	ssyncadd.s32 $0xFFFFF078  }
.LBB2_2:
0xf: {  	s15 =	sshll.u32 s14, $0xB  }
0x10: {  	s15 =	sadd.s32 s4, s15  }
0x11: {  	[tilespmem:s11], [sflag:$0x1] =	stream.linear.gather [hbm4b:s15+s2], $0x4000, $0x38;
	[tilespmem:$0x8F88] =	vst v63  }
0x12: {  	_ =	swait.ge [sflag:s10], $0x4000  }
0x13: {  	s16 =	simm.s32 $0xFC8;
	[sflag:s10] =	ssyncset.done $0x0  }
0x14: {  	s17 =	simm.s32 $0x4FC8;
	s15 =	simm.s32 $0xFFFFFFF8;
	[sflag:s10] =	ssyncadd.s32 $0xFFFFC000  }
.LBB2_3:
0x15: {  	v0 =	vld [tilespmem:s16+$0xFFFFFFC0];
	_ =	sdelay $0x7  }
0x16: {  	v0 =	vld.idx.msk [tilespmem:v0+s2+$0x0], $0xffff;
	_ =	sdelay $0x4  }
0x17: {  	[tilespmem:s17+$0xFFFFFFC0] =	vst v0  }
0x18: {  	v0 =	vld [tilespmem:s16+$0xFFFFFFD0];
	_ =	sdelay $0x7  }
0x19: {  	v0 =	vld.idx.msk [tilespmem:v0+s2+$0x0], $0xffff;
	_ =	sdelay $0x4  }
0x1a: {  	[tilespmem:s17+$0xFFFFFFD0] =	vst v0  }
0x1b: {  	v0 =	vld [tilespmem:s16+$0xFFFFFFE0];
	_ =	sdelay $0x7  }
0x1c: {  	v0 =	vld.idx.msk [tilespmem:v0+s2+$0x0], $0xffff;
	_ =	sdelay $0x4  }
0x1d: {  	[tilespmem:s17+$0xFFFFFFE0] =	vst v0  }
0x1e: {  	v0 =	vld [tilespmem:s16+$0xFFFFFFF0];
	_ =	sdelay $0x7  }
0x1f: {  	v0 =	vld.idx.msk [tilespmem:v0+s2+$0x0], $0xffff;
	_ =	sdelay $0x4  }
0x20: {  	[tilespmem:s17+$0xFFFFFFF0] =	vst v0  }
0x21: {  	v0 =	vld [tilespmem:s16+$0x0];
	_ =	sdelay $0x7  }
0x22: {  	v0 =	vld.idx.msk [tilespmem:v0+s2+$0x0], $0xffff;
	_ =	sdelay $0x4  }
0x23: {  	[tilespmem:s17+$0x0] =	vst v0  }
0x24: {  	v0 =	vld [tilespmem:s16+$0x10];
	_ =	sdelay $0x7  }
0x25: {  	v0 =	vld.idx.msk [tilespmem:v0+s2+$0x0], $0xffff;
	_ =	sdelay $0x4  }
0x26: {  	[tilespmem:s17+$0x10] =	vst v0  }
0x27: {  	v0 =	vld [tilespmem:s16+$0x20];
	_ =	sdelay $0x7  }
0x28: {  	v0 =	vld.idx.msk [tilespmem:v0+s2+$0x0], $0xffff;
	_ =	sdelay $0x4  }
0x29: {  	[tilespmem:s17+$0x20] =	vst v0  }
0x2a: {  	v0 =	vld [tilespmem:s16+$0x30];
	_ =	sdelay $0x6  }
0x2b: {  	s15 =	sadd.s32 $0x8, s15  }
0x2c: {  	p0 =	slt.u32 s15, $0x3F8;
	v0 =	vld.idx.msk [tilespmem:v0+s2+$0x0], $0xffff  }
.Ltmp0:
0x2d: {  	_ = 	snop;
	(pc) =	sbr.rel @p0 .LBB2_3-.Ltmp0, $2  }
0x2e: {  	_ =	sdelay $0x2  }
0x2f: {  	s16 =	sadd.s32 $0x80, s16;
	[tilespmem:s17+$0x30] =	vst v0;
	s17 =	sadd.s32 $0x80, s17  }
0x30: {  	s15 =	sshll.u32 s14, $0xE  }
0x31: {  	s14 =	sadd.s32 $0x1, s14;
	s15 =	sadd.s32 s3, s15  }
0x32: {  	p0 =	sne.s32 s14, $0x40;
	s15 =	sshrl.u32 s15, $0x3  }
.Ltmp1:
0x33: {  	s15 =	sadd.s32 s5, s15;
	(pc) =	sbr.rel @p0 .LBB2_2-.Ltmp1, $4  }
0x34: {  	[hbm4b:s15+s2] =	stream.linear.scatter [tilespmem:s12], [sflag:$0x1], $0x4000, $0x38;
	[tilespmem:$0x8F88] =	vst v63  }
0x35: {  	_ =	swait.ge [sflag:s10], $0x4000  }
0x36: {  	[sflag:s10] =	ssyncset.done $0x0  }
0x37: {  	[sflag:s10] =	ssyncadd.s32 $0xFFFFC000  }
0x38: {  	[tilespmem:s11], [sflag:$0x1] =	stream.linear.gather [hbm4b:s7+s2], $0x810, $0x38;
	[tilespmem:$0x8F88] =	vst v63  }
0x39: {  	_ =	swait.ge [sflag:s10], $0x810  }
0x3a: {  	s14 =	simm.s32 $0xFFFFFFF8;
	[sflag:s10] =	ssyncset.done $0x0  }
0x3b: {  	s15 =	simm.s32 $0xFC8;
	s16 =	simm.s32 $0x4FC8;
	[sflag:s10] =	ssyncadd.s32 $0xFFFFF7F0  }
.LBB2_6:
0x3c: {  	v0 =	vld [tilespmem:s15+$0xFFFFFFC0];
	_ =	sdelay $0x7  }
0x3d: {  	v0 =	vld.idx.msk [tilespmem:v0+s2+$0x0], $0xffff;
	_ =	sdelay $0x4  }
0x3e: {  	[tilespmem:s16+$0xFFFFFFC0] =	vst v0  }
0x3f: {  	v0 =	vld [tilespmem:s15+$0xFFFFFFD0];
	_ =	sdelay $0x7  }
0x40: {  	v0 =	vld.idx.msk [tilespmem:v0+s2+$0x0], $0xffff;
	_ =	sdelay $0x4  }
0x41: {  	[tilespmem:s16+$0xFFFFFFD0] =	vst v0  }
0x42: {  	v0 =	vld [tilespmem:s15+$0xFFFFFFE0];
	_ =	sdelay $0x7  }
0x43: {  	v0 =	vld.idx.msk [tilespmem:v0+s2+$0x0], $0xffff;
	_ =	sdelay $0x4  }
0x44: {  	[tilespmem:s16+$0xFFFFFFE0] =	vst v0  }
0x45: {  	v0 =	vld [tilespmem:s15+$0xFFFFFFF0];
	_ =	sdelay $0x7  }
0x46: {  	v0 =	vld.idx.msk [tilespmem:v0+s2+$0x0], $0xffff;
	_ =	sdelay $0x4  }
0x47: {  	[tilespmem:s16+$0xFFFFFFF0] =	vst v0  }
0x48: {  	v0 =	vld [tilespmem:s15+$0x0];
	_ =	sdelay $0x7  }
0x49: {  	v0 =	vld.idx.msk [tilespmem:v0+s2+$0x0], $0xffff;
	_ =	sdelay $0x4  }
0x4a: {  	[tilespmem:s16+$0x0] =	vst v0  }
0x4b: {  	v0 =	vld [tilespmem:s15+$0x10];
	_ =	sdelay $0x7  }
0x4c: {  	v0 =	vld.idx.msk [tilespmem:v0+s2+$0x0], $0xffff;
	_ =	sdelay $0x4  }
0x4d: {  	[tilespmem:s16+$0x10] =	vst v0  }
0x4e: {  	v0 =	vld [tilespmem:s15+$0x20];
	_ =	sdelay $0x7  }
0x4f: {  	v0 =	vld.idx.msk [tilespmem:v0+s2+$0x0], $0xffff;
	_ =	sdelay $0x4  }
0x50: {  	[tilespmem:s16+$0x20] =	vst v0  }
0x51: {  	v0 =	vld [tilespmem:s15+$0x30];
	_ =	sdelay $0x6  }
0x52: {  	s14 =	sadd.s32 $0x8, s14  }
0x53: {  	p0 =	slt.u32 s14, $0x78;
	v0 =	vld.idx.msk [tilespmem:v0+s2+$0x0], $0xffff  }
.Ltmp2:
0x54: {  	_ = 	snop;
	(pc) =	sbr.rel @p0 .LBB2_6-.Ltmp2, $2  }
0x55: {  	_ =	sdelay $0x2  }
0x56: {  	s15 =	sadd.s32 $0x80, s15;
	[tilespmem:s16+$0x30] =	vst v0;
	s16 =	sadd.s32 $0x80, s16  }
0x57: {  	v0 =	vld [tilespmem:$0x1788];
	_ =	sdelay $0x7  }
0x58: {  	v0 =	vld.idx.msk [tilespmem:v0+s2+$0x0], $0xffff;
	_ =	sdelay $0x2  }
0x59: {  	s13 =	sadd.s32 $0x1, s13  }
0x5a: {  	p0 =	sne.s32 s13, s9  }
.Ltmp3:
0x5b: {  	[tilespmem:$0x5788] =	vst v0;
	(pc) =	sbr.rel @p0 .LBB2_1-.Ltmp3, $4  }
0x5c: {  	[hbm4b:s8+s2] =	stream.linear.scatter [tilespmem:s12], [sflag:$0x1], $0x801, $0x38;
	[tilespmem:$0x8F88] =	vst v63  }
0x5d: {  	_ =	swait.ge [sflag:s10], $0x801  }
0x5e: {  	[sflag:s10] =	ssyncset.done $0x0  }
0x5f: {  	[sflag:s10] =	ssyncadd.s32 $0xFFFFF7FF  }
0x60: {  	_ =	sfence.sel $0x180000  }
0x61: {  	[bflag:$0x0] =	sbarrier.arrive $0xFFFF  }
0x62: {  	p0 =	sne.s32 s0, $0x0;
	_ =	strace $0x90000047  }
0x63: {  	s0 =	sadd.s32 @!p0 $0x100000, s1;
	[bflag:$0x2] =	sbarrier.arrive $0xFFFF  }
0x64: {  	[sflag:s0] =	ssyncadd.tile.s32 @!p0 $0x1;
	_ =	shalt  }
.Lfunc_end2:
_tile_overlayer_lowered:
.L_overlay_start_2:
0x65: {  	(tag) =	ssettag $0x2  }
0x66: {  	s0 =	rddreg [dreg:$0x0];
	s2 =	stileid.u32  }
0x67: {  	s1 =	rddreg [dreg:$0x1];
	p0 =	sne.s32 s2, $0x0  }
0x68: {  	s3 =	rddreg [dreg:$0x2];
	[bflag:$0x3] =	sbarrier.arrive $0xFFFF;
	s2 =	simm.s32 @!p0 $0x1C01  }
0x69: {  	[timem:s3], [sflag:s2] =	dma.local @!p0 [hbm:s0], s1  }
0x6a: {  	s0 =	simm.s32 @!p0 $0x1  }
0x6b: {  	_ =	swait.ge @!p0 [sflag:s0], s1  }
0x6c: {  	s1 =	ssub.s32 @!p0 $0x0, s1;
	[sflag:s0] =	ssyncset.done @!p0 $0x0  }
0x6d: {  	[sflag:s0] =	ssyncadd.s32 @!p0 s1  }
0x6e: {  	[bflag:$0x3] =	sbarrier.arrive $0xFFFF  }
0x6f: {  	_ =	shalt  }

</sc_bundles>
